<compile_context>
chip_gen: v7x
topology: tpu7x:2x2x1
jax: 0.10.2.dev20260603
libtpu: 0.0.44.dev20260713+nightly
codegen_flags: <defaults>
</compile_context>

<pallas_src>
import functools

import jax
import jax.numpy as jnp
from jax import lax
from jax.experimental import pallas as pl
from jax.experimental.pallas import tpu as pltpu
from jax.experimental.pallas import tpu_sc as plsc

_NUM_CORES = 2
_NUM_SUBCORES = 16
_NW = _NUM_CORES * _NUM_SUBCORES
_IDX_MINOR = 128


@functools.cache
def _build(B, S, EMB):
  total = B * S
  chunk = total // _NW
  nsub = chunk // _IDX_MINOR
  assert chunk % _IDX_MINOR == 0 and S % chunk == 0

  mesh = plsc.VectorSubcoreMesh(core_axis_name="c", subcore_axis_name="s")

  @functools.partial(
      pl.kernel,
      out_type=jax.ShapeDtypeStruct((total, EMB), jnp.float32),
      mesh=mesh,
      scratch_types=[
          pltpu.VMEM((chunk,), jnp.int32),
          pltpu.VMEM((chunk, EMB), jnp.float32),
          pltpu.SemaphoreType.DMA,
          pltpu.SemaphoreType.DMA,
          pltpu.SemaphoreType.DMA,
      ],
  )
  def emb_kernel(src_hbm, word_hbm, pos_hbm, out_hbm, idx_v, rows_v, sem,
                 out_sem, idx_sem):
    wid = lax.axis_index("s") * _NUM_CORES + lax.axis_index("c")
    base = wid * chunk
    nseg = S // chunk
    b = wid // nseg
    s0 = lax.rem(wid, nseg) * chunk

    with jax.named_scope("stage"):
      idx_cp = pltpu.async_copy(src_hbm.at[b, pl.ds(s0, chunk)], idx_v,
                                idx_sem)
      pltpu.sync_copy(pos_hbm.at[pl.ds(s0, chunk)], rows_v)
      idx_cp.wait()
    with jax.named_scope("fire"):
      copies = [
          pltpu.async_copy(
              word_hbm.at[idx_v.at[pl.ds(j * _IDX_MINOR, _IDX_MINOR)]],
              rows_v.at[pl.ds(j * _IDX_MINOR, _IDX_MINOR)],
              sem,
              add=True,
          )
          for j in range(nsub)
      ]
    outs = []
    for j in range(nsub):
      with jax.named_scope(f"gwait{j}"):
        copies[j].wait()
      with jax.named_scope(f"ofire{j}"):
        outs.append(
            pltpu.async_copy(
                rows_v.at[pl.ds(j * _IDX_MINOR, _IDX_MINOR)],
                out_hbm.at[pl.ds(base + j * _IDX_MINOR, _IDX_MINOR)],
                out_sem,
            ))
    with jax.named_scope("owait"):
      for oc in outs:
        oc.wait()

  return emb_kernel


def kernel(src, word_table, pos_table):
  B, S = src.shape
  EMB = word_table.shape[1]
  fn = _build(B, S, EMB)
  out = fn(src.astype(jnp.int32), word_table, pos_table)
  return out.reshape(B, S, EMB)

# --- scband reference (transcript-rebuilt; emitter-appended) ---
"""Pipeline reference for scband-word-pos-embedding-36335423324291 (READ-ONLY COPY).

The authoritative reference and input builder live on the scoring server;
editing this copy changes nothing except your own understanding.
"""

import jax, jax.numpy as jnp
import numpy as np

VOCAB = 100000
MAX_SEQ = 2048
EMB = 128
B = 4
S = 2048

def setup_inputs(seed: int = 0) -> dict:
    key = jax.random.key(seed)
    k1, k2, k3 = jax.random.split(key, 3)
    src = jax.random.randint(k1, (B, S), 0, VOCAB, dtype=jnp.int64 if jax.config.jax_enable_x64 else jnp.int32)
    word_table = jax.random.normal(k2, (VOCAB, EMB), dtype=jnp.float32) * 0.02
    pos_table = jax.random.normal(k3, (MAX_SEQ, EMB), dtype=jnp.float32) * 0.02
    return {"src": src, "word_table": word_table, "pos_table": pos_table}

def reference(src, word_table, pos_table):
    # word embedding lookup (gather)
    word_emb = jnp.take(word_table, src, axis=0)  # [B, S, EMB]
    # position embedding: arange(0, S) repeated over batch, then lookup
    pos_ids = jnp.arange(word_emb.shape[1], dtype=src.dtype)
    pos_emb = jnp.take(pos_table, pos_ids, axis=0)[None, :, :]  # [1, S, EMB]
    emb = word_emb + jnp.broadcast_to(pos_emb, word_emb.shape)
    # remove_embedding_layernorm=True -> no layernorm; dropout p=0.0 -> identity (eval)
    return emb

if __name__ == "__main__":
    import jax
    _d = setup_inputs()
    print(jax.jit(kernel)(*tuple(_d.values())))

</pallas_src>

<mosaic_0001>
#map = affine_map<(d0, d1) -> (0, 0)>
module attributes {stable_mosaic.version = 14 : i64} {
  func.func @emb_kernel(%arg0: i32, %arg1: i32, %arg2: memref<4x2048xi32, #tpu.memory_space<hbm>>, %arg3: memref<100000x128xf32, #tpu.memory_space<hbm>>, %arg4: memref<2048x128xf32, #tpu.memory_space<hbm>>, %arg5: memref<8192x128xf32, #tpu.memory_space<hbm>>, %arg6: memref<256xi32, #tpu.memory_space<vmem>>, %arg7: memref<256x128xf32, #tpu.memory_space<vmem>>, %arg8: memref<!tpu.dma_semaphore, #tpu.memory_space<semaphore_mem>>, %arg9: memref<!tpu.dma_semaphore, #tpu.memory_space<semaphore_mem>>, %arg10: memref<!tpu.dma_semaphore, #tpu.memory_space<semaphore_mem>>) attributes {dimension_semantics = [#tpu.dimension_semantics<core_parallel>, #tpu.dimension_semantics<subcore_parallel>], iteration_bounds = array<i64: 2, 16>, scalar_prefetch = 0 : i64, scratch_operands = 5 : i64, tpu.core_type = #tpu.core_type<sc_vector_subcore>, window_params = [{transform_indices = #map}, {transform_indices = #map}, {transform_indices = #map}, {transform_indices = #map}]} {
    %mul3A = arith.constant 2 : i32
    %mul3A_0 = arith.muli %arg1, %mul3A : i32
    %add3A = arith.addi %mul3A_0, %arg0 : i32
    %mul3A_1 = arith.constant 256 : i32
    %mul3A_2 = arith.muli %add3A, %mul3A_1 : i32
    %jit3A = arith.constant 8 : i32
    %div3A = arith.divsi %add3A, %jit3A : i32
    %sign3A = arith.constant 0 : i32
    %sign3A_3 = arith.cmpi sgt, %add3A, %sign3A : i32
    %sign3A_4 = arith.extui %sign3A_3 : i1 to i32
    %sign3A_5 = arith.constant 0 : i32
    %sign3A_6 = arith.cmpi slt, %add3A, %sign3A_5 : i32
    %sign3A_7 = arith.extui %sign3A_6 : i1 to i32
    %sign3A_8 = arith.subi %sign3A_4, %sign3A_7 : i32
    %sign3A_9 = arith.constant 0 : i32
    %sign3A_10 = arith.cmpi sgt, %jit3A, %sign3A_9 : i32
    %sign3A_11 = arith.extui %sign3A_10 : i1 to i32
    %sign3A_12 = arith.constant 0 : i32
    %sign3A_13 = arith.cmpi slt, %jit3A, %sign3A_12 : i32
    %sign3A_14 = arith.extui %sign3A_13 : i1 to i32
    %sign3A_15 = arith.subi %sign3A_11, %sign3A_14 : i32
    %ne3A = arith.cmpi ne, %sign3A_8, %sign3A_15 : i32
    %rem3A = arith.remsi %add3A, %jit3A : i32
    %ne3A_16 = arith.constant 0 : i32
    %ne3A_17 = arith.cmpi ne, %rem3A, %ne3A_16 : i32
    %and3A = arith.andi %ne3A, %ne3A_17 : i1
    %sub3A = arith.constant 1 : i32
    %sub3A_18 = arith.subi %div3A, %sub3A : i32
    %select_n3A = arith.select %and3A, %sub3A_18, %div3A : i32
    %rem3A_19 = arith.constant 8 : i32
    %rem3A_20 = arith.remsi %add3A, %rem3A_19 : i32
    %mul3A_21 = arith.constant 256 : i32
    %mul3A_22 = arith.muli %rem3A_20, %mul3A_21 : i32
    "tpu.trace_start"() <{level = 10 : i32, message = "stage"}> : () -> ()
    %dma_start3A = tpu.memref_slice %arg2[%select_n3A, %mul3A_22] : memref<4x2048xi32, #tpu.memory_space<hbm>> -> memref<1x256xi32, #tpu.memory_space<hbm>>
    %dma_start3A_23 = tpu.memref_squeeze %dma_start3A : memref<1x256xi32, #tpu.memory_space<hbm>> -> memref<256xi32, #tpu.memory_space<hbm>>
    %dma_start3A_24 = tpu.memref_slice %arg2[%select_n3A, %mul3A_22] : memref<4x2048xi32, #tpu.memory_space<hbm>> -> memref<1x256xi32, #tpu.memory_space<hbm>>
    %dma_start3A_25 = tpu.memref_squeeze %dma_start3A_24 : memref<1x256xi32, #tpu.memory_space<hbm>> -> memref<256xi32, #tpu.memory_space<hbm>>
    tpu.enqueue_dma source(%dma_start3A_25 : memref<256xi32, #tpu.memory_space<hbm>>) target(%arg6 : memref<256xi32, #tpu.memory_space<vmem>>) target_semaphore(%arg10 : memref<!tpu.dma_semaphore, #tpu.memory_space<semaphore_mem>>)
    "tpu.region"() ({
      %run_scoped3A = tpu.sem_alloc : memref<!tpu.dma_semaphore, #tpu.memory_space<semaphore_mem>>
      %dma_start3A_105 = arith.constant 0 : i32
      %dma_start3A_106 = tpu.memref_slice %arg4[%mul3A_22, %dma_start3A_105] : memref<2048x128xf32, #tpu.memory_space<hbm>> -> memref<256x128xf32, #tpu.memory_space<hbm>>
      %dma_start3A_107 = arith.constant 0 : i32
      %dma_start3A_108 = tpu.memref_slice %arg4[%mul3A_22, %dma_start3A_107] : memref<2048x128xf32, #tpu.memory_space<hbm>> -> memref<256x128xf32, #tpu.memory_space<hbm>>
      tpu.enqueue_dma source(%dma_start3A_108 : memref<256x128xf32, #tpu.memory_space<hbm>>) target(%arg7 : memref<256x128xf32, #tpu.memory_space<vmem>>) target_semaphore(%run_scoped3A : memref<!tpu.dma_semaphore, #tpu.memory_space<semaphore_mem>>)
      %dma_wait3A_109 = arith.constant 0 : i32
      %dma_wait3A_110 = tpu.memref_slice %arg4[%mul3A_22, %dma_wait3A_109] : memref<2048x128xf32, #tpu.memory_space<hbm>> -> memref<256x128xf32, #tpu.memory_space<hbm>>
      %dma_wait3A_111 = arith.constant 0 : i32
      %dma_wait3A_112 = tpu.memref_slice %arg4[%mul3A_22, %dma_wait3A_111] : memref<2048x128xf32, #tpu.memory_space<hbm>> -> memref<256x128xf32, #tpu.memory_space<hbm>>
      tpu.wait_dma2 semaphore(%run_scoped3A : memref<!tpu.dma_semaphore, #tpu.memory_space<semaphore_mem>>) src(%dma_wait3A_112 : memref<256x128xf32, #tpu.memory_space<hbm>>) dst(%arg7 : memref<256x128xf32, #tpu.memory_space<vmem>>)
      tpu.yield
    }) : () -> ()
    %dma_wait3A = tpu.memref_slice %arg2[%select_n3A, %mul3A_22] : memref<4x2048xi32, #tpu.memory_space<hbm>> -> memref<1x256xi32, #tpu.memory_space<hbm>>
    %dma_wait3A_26 = tpu.memref_squeeze %dma_wait3A : memref<1x256xi32, #tpu.memory_space<hbm>> -> memref<256xi32, #tpu.memory_space<hbm>>
    %dma_wait3A_27 = tpu.memref_slice %arg2[%select_n3A, %mul3A_22] : memref<4x2048xi32, #tpu.memory_space<hbm>> -> memref<1x256xi32, #tpu.memory_space<hbm>>
    %dma_wait3A_28 = tpu.memref_squeeze %dma_wait3A_27 : memref<1x256xi32, #tpu.memory_space<hbm>> -> memref<256xi32, #tpu.memory_space<hbm>>
    tpu.wait_dma2 semaphore(%arg10 : memref<!tpu.dma_semaphore, #tpu.memory_space<semaphore_mem>>) src(%dma_wait3A_28 : memref<256xi32, #tpu.memory_space<hbm>>) dst(%arg6 : memref<256xi32, #tpu.memory_space<vmem>>)
    "tpu.trace_stop"() : () -> ()
    "tpu.trace_start"() <{level = 10 : i32, message = "fire"}> : () -> ()
    %dma_start3A_29 = arith.constant 0 : i32
    %dma_start3A_30 = arith.constant 0 : i32
    %dma_start3A_31 = tpu.memref_slice %arg7[%dma_start3A_29, %dma_start3A_30] : memref<256x128xf32, #tpu.memory_space<vmem>> -> memref<128x128xf32, #tpu.memory_space<vmem>>
    %dma_start3A_32 = arith.constant 0 : i32
    %dma_start3A_33 = tpu.memref_slice %arg6[%dma_start3A_32] : memref<256xi32, #tpu.memory_space<vmem>> -> memref<128xi32, #tpu.memory_space<vmem>>
    %dma_start3A_34 = arith.constant 0 : i32
    %dma_start3A_35 = arith.constant 0 : i32
    %dma_start3A_36 = tpu.memref_slice %arg3[%dma_start3A_34, %dma_start3A_35] : memref<100000x128xf32, #tpu.memory_space<hbm>> -> memref<100000x128xf32, #tpu.memory_space<hbm>>
    tpu.enqueue_indirect_dma source(%dma_start3A_36 : memref<100000x128xf32, #tpu.memory_space<hbm>>) target(%dma_start3A_31 : memref<128x128xf32, #tpu.memory_space<vmem>>) offsets(%dma_start3A_33 : memref<128xi32, #tpu.memory_space<vmem>>) semaphore(%arg8 : memref<!tpu.dma_semaphore, #tpu.memory_space<semaphore_mem>>) {add = true}
    %dma_start3A_37 = arith.constant 128 : i32
    %dma_start3A_38 = arith.constant 0 : i32
    %dma_start3A_39 = tpu.memref_slice %arg7[%dma_start3A_37, %dma_start3A_38] : memref<256x128xf32, #tpu.memory_space<vmem>> -> memref<128x128xf32, #tpu.memory_space<vmem>>
    %dma_start3A_40 = arith.constant 128 : i32
    %dma_start3A_41 = tpu.memref_slice %arg6[%dma_start3A_40] : memref<256xi32, #tpu.memory_space<vmem>> -> memref<128xi32, #tpu.memory_space<vmem>>
    %dma_start3A_42 = arith.constant 0 : i32
    %dma_start3A_43 = arith.constant 0 : i32
    %dma_start3A_44 = tpu.memref_slice %arg3[%dma_start3A_42, %dma_start3A_43] : memref<100000x128xf32, #tpu.memory_space<hbm>> -> memref<100000x128xf32, #tpu.memory_space<hbm>>
    tpu.enqueue_indirect_dma source(%dma_start3A_44 : memref<100000x128xf32, #tpu.memory_space<hbm>>) target(%dma_start3A_39 : memref<128x128xf32, #tpu.memory_space<vmem>>) offsets(%dma_start3A_41 : memref<128xi32, #tpu.memory_space<vmem>>) semaphore(%arg8 : memref<!tpu.dma_semaphore, #tpu.memory_space<semaphore_mem>>) {add = true}
    "tpu.trace_stop"() : () -> ()
    "tpu.trace_start"() <{level = 10 : i32, message = "gwait0"}> : () -> ()
    %dma_wait3A_45 = arith.constant 0 : i32
    %dma_wait3A_46 = arith.constant 0 : i32
    %dma_wait3A_47 = tpu.memref_slice %arg7[%dma_wait3A_45, %dma_wait3A_46] : memref<256x128xf32, #tpu.memory_space<vmem>> -> memref<128x128xf32, #tpu.memory_space<vmem>>
    %dma_wait3A_48 = arith.constant 0 : i32
    %dma_wait3A_49 = tpu.memref_slice %arg6[%dma_wait3A_48] : memref<256xi32, #tpu.memory_space<vmem>> -> memref<128xi32, #tpu.memory_space<vmem>>
    %dma_wait3A_50 = arith.constant 0 : i32
    %dma_wait3A_51 = arith.constant 0 : i32
    %dma_wait3A_52 = tpu.memref_slice %arg3[%dma_wait3A_50, %dma_wait3A_51] : memref<100000x128xf32, #tpu.memory_space<hbm>> -> memref<100000x128xf32, #tpu.memory_space<hbm>>
    tpu.wait_indirect_dma semaphore(%arg8 : memref<!tpu.dma_semaphore, #tpu.memory_space<semaphore_mem>>) src(%dma_wait3A_52 : memref<100000x128xf32, #tpu.memory_space<hbm>>) dst(%dma_wait3A_47 : memref<128x128xf32, #tpu.memory_space<vmem>>)
    "tpu.trace_stop"() : () -> ()
    "tpu.trace_start"() <{level = 10 : i32, message = "ofire0"}> : () -> ()
    %add3A_53 = arith.constant 0 : i32
    %add3A_54 = arith.addi %mul3A_2, %add3A_53 : i32
    %dma_start3A_55 = arith.constant 0 : i32
    %dma_start3A_56 = arith.constant 0 : i32
    %dma_start3A_57 = tpu.memref_slice %arg7[%dma_start3A_55, %dma_start3A_56] : memref<256x128xf32, #tpu.memory_space<vmem>> -> memref<128x128xf32, #tpu.memory_space<vmem>>
    %dma_start3A_58 = arith.constant 0 : i32
    %dma_start3A_59 = tpu.memref_slice %arg5[%add3A_54, %dma_start3A_58] : memref<8192x128xf32, #tpu.memory_space<hbm>> -> memref<128x128xf32, #tpu.memory_space<hbm>>
    %dma_start3A_60 = arith.constant 0 : i32
    %dma_start3A_61 = tpu.memref_slice %arg5[%add3A_54, %dma_start3A_60] : memref<8192x128xf32, #tpu.memory_space<hbm>> -> memref<128x128xf32, #tpu.memory_space<hbm>>
    %dma_start3A_62 = arith.constant 0 : i32
    %dma_start3A_63 = arith.constant 0 : i32
    %dma_start3A_64 = tpu.memref_slice %arg7[%dma_start3A_62, %dma_start3A_63] : memref<256x128xf32, #tpu.memory_space<vmem>> -> memref<128x128xf32, #tpu.memory_space<vmem>>
    tpu.enqueue_dma source(%dma_start3A_64 : memref<128x128xf32, #tpu.memory_space<vmem>>) target(%dma_start3A_61 : memref<128x128xf32, #tpu.memory_space<hbm>>) target_semaphore(%arg9 : memref<!tpu.dma_semaphore, #tpu.memory_space<semaphore_mem>>)
    "tpu.trace_stop"() : () -> ()
    "tpu.trace_start"() <{level = 10 : i32, message = "gwait1"}> : () -> ()
    %dma_wait3A_65 = arith.constant 128 : i32
    %dma_wait3A_66 = arith.constant 0 : i32
    %dma_wait3A_67 = tpu.memref_slice %arg7[%dma_wait3A_65, %dma_wait3A_66] : memref<256x128xf32, #tpu.memory_space<vmem>> -> memref<128x128xf32, #tpu.memory_space<vmem>>
    %dma_wait3A_68 = arith.constant 128 : i32
    %dma_wait3A_69 = tpu.memref_slice %arg6[%dma_wait3A_68] : memref<256xi32, #tpu.memory_space<vmem>> -> memref<128xi32, #tpu.memory_space<vmem>>
    %dma_wait3A_70 = arith.constant 0 : i32
    %dma_wait3A_71 = arith.constant 0 : i32
    %dma_wait3A_72 = tpu.memref_slice %arg3[%dma_wait3A_70, %dma_wait3A_71] : memref<100000x128xf32, #tpu.memory_space<hbm>> -> memref<100000x128xf32, #tpu.memory_space<hbm>>
    tpu.wait_indirect_dma semaphore(%arg8 : memref<!tpu.dma_semaphore, #tpu.memory_space<semaphore_mem>>) src(%dma_wait3A_72 : memref<100000x128xf32, #tpu.memory_space<hbm>>) dst(%dma_wait3A_67 : memref<128x128xf32, #tpu.memory_space<vmem>>)
    "tpu.trace_stop"() : () -> ()
    "tpu.trace_start"() <{level = 10 : i32, message = "ofire1"}> : () -> ()
    %add3A_73 = arith.constant 128 : i32
    %add3A_74 = arith.addi %mul3A_2, %add3A_73 : i32
    %dma_start3A_75 = arith.constant 128 : i32
    %dma_start3A_76 = arith.constant 0 : i32
    %dma_start3A_77 = tpu.memref_slice %arg7[%dma_start3A_75, %dma_start3A_76] : memref<256x128xf32, #tpu.memory_space<vmem>> -> memref<128x128xf32, #tpu.memory_space<vmem>>
    %dma_start3A_78 = arith.constant 0 : i32
    %dma_start3A_79 = tpu.memref_slice %arg5[%add3A_74, %dma_start3A_78] : memref<8192x128xf32, #tpu.memory_space<hbm>> -> memref<128x128xf32, #tpu.memory_space<hbm>>
    %dma_start3A_80 = arith.constant 0 : i32
    %dma_start3A_81 = tpu.memref_slice %arg5[%add3A_74, %dma_start3A_80] : memref<8192x128xf32, #tpu.memory_space<hbm>> -> memref<128x128xf32, #tpu.memory_space<hbm>>
    %dma_start3A_82 = arith.constant 128 : i32
    %dma_start3A_83 = arith.constant 0 : i32
    %dma_start3A_84 = tpu.memref_slice %arg7[%dma_start3A_82, %dma_start3A_83] : memref<256x128xf32, #tpu.memory_space<vmem>> -> memref<128x128xf32, #tpu.memory_space<vmem>>
    tpu.enqueue_dma source(%dma_start3A_84 : memref<128x128xf32, #tpu.memory_space<vmem>>) target(%dma_start3A_81 : memref<128x128xf32, #tpu.memory_space<hbm>>) target_semaphore(%arg9 : memref<!tpu.dma_semaphore, #tpu.memory_space<semaphore_mem>>)
    "tpu.trace_stop"() : () -> ()
    "tpu.trace_start"() <{level = 10 : i32, message = "owait"}> : () -> ()
    %dma_wait3A_85 = arith.constant 0 : i32
    %dma_wait3A_86 = arith.constant 0 : i32
    %dma_wait3A_87 = tpu.memref_slice %arg7[%dma_wait3A_85, %dma_wait3A_86] : memref<256x128xf32, #tpu.memory_space<vmem>> -> memref<128x128xf32, #tpu.memory_space<vmem>>
    %dma_wait3A_88 = arith.constant 0 : i32
    %dma_wait3A_89 = tpu.memref_slice %arg5[%add3A_54, %dma_wait3A_88] : memref<8192x128xf32, #tpu.memory_space<hbm>> -> memref<128x128xf32, #tpu.memory_space<hbm>>
    %dma_wait3A_90 = arith.constant 0 : i32
    %dma_wait3A_91 = tpu.memref_slice %arg5[%add3A_54, %dma_wait3A_90] : memref<8192x128xf32, #tpu.memory_space<hbm>> -> memref<128x128xf32, #tpu.memory_space<hbm>>
    %dma_wait3A_92 = arith.constant 0 : i32
    %dma_wait3A_93 = arith.constant 0 : i32
    %dma_wait3A_94 = tpu.memref_slice %arg7[%dma_wait3A_92, %dma_wait3A_93] : memref<256x128xf32, #tpu.memory_space<vmem>> -> memref<128x128xf32, #tpu.memory_space<vmem>>
    tpu.wait_dma2 semaphore(%arg9 : memref<!tpu.dma_semaphore, #tpu.memory_space<semaphore_mem>>) src(%dma_wait3A_94 : memref<128x128xf32, #tpu.memory_space<vmem>>) dst(%dma_wait3A_91 : memref<128x128xf32, #tpu.memory_space<hbm>>)
    %dma_wait3A_95 = arith.constant 128 : i32
    %dma_wait3A_96 = arith.constant 0 : i32
    %dma_wait3A_97 = tpu.memref_slice %arg7[%dma_wait3A_95, %dma_wait3A_96] : memref<256x128xf32, #tpu.memory_space<vmem>> -> memref<128x128xf32, #tpu.memory_space<vmem>>
    %dma_wait3A_98 = arith.constant 0 : i32
    %dma_wait3A_99 = tpu.memref_slice %arg5[%add3A_74, %dma_wait3A_98] : memref<8192x128xf32, #tpu.memory_space<hbm>> -> memref<128x128xf32, #tpu.memory_space<hbm>>
    %dma_wait3A_100 = arith.constant 0 : i32
    %dma_wait3A_101 = tpu.memref_slice %arg5[%add3A_74, %dma_wait3A_100] : memref<8192x128xf32, #tpu.memory_space<hbm>> -> memref<128x128xf32, #tpu.memory_space<hbm>>
    %dma_wait3A_102 = arith.constant 128 : i32
    %dma_wait3A_103 = arith.constant 0 : i32
    %dma_wait3A_104 = tpu.memref_slice %arg7[%dma_wait3A_102, %dma_wait3A_103] : memref<256x128xf32, #tpu.memory_space<vmem>> -> memref<128x128xf32, #tpu.memory_space<vmem>>
    tpu.wait_dma2 semaphore(%arg9 : memref<!tpu.dma_semaphore, #tpu.memory_space<semaphore_mem>>) src(%dma_wait3A_104 : memref<128x128xf32, #tpu.memory_space<vmem>>) dst(%dma_wait3A_101 : memref<128x128xf32, #tpu.memory_space<hbm>>)
    "tpu.trace_stop"() : () -> ()
    return
  }
}

</mosaic_0001>

<sc_bundles>
// kernel: kernel.3.cloned.1.call-start
scs
__scs_entry_jumppad:
0x0: {  	(pc) =	sbr.rel $0x88, $3  }
0x1: {  	(tag) =	ssettag $0x0;
	lr =	simm.s32 $0x1  }
0x2: {  	[smem:$0x3F9E] =	sst lr;
	_ =	strace $0xD0000000  }
0x3: {  	_ = 	snop  }
0x4: {  	_ = 	snop  }
0x5: {  	_ = 	snop  }
0x6: {  	_ = 	snop  }
0x7: {  	_ = 	snop  }
__scs_overlays_trampoline_lowered:
0x8: {  	[smem:$0x3FAD] =	sst s0  }
0x9: {  	[smem:$0x3FAE] =	sst s1  }
0xa: {  	[smem:$0x3FAF] =	sst s2  }
0xb: {  	[smem:$0x3FB0] =	sst s3  }
0xc: {  	[smem:$0x3FB1] =	sst s4  }
0xd: {  	[smem:$0x3FB2] =	sst s5  }
0xe: {  	[smem:$0x3FB3] =	sst s6  }
0xf: {  	[smem:$0x3FB4] =	sst s7  }
0x10: {  	[smem:$0x3FB5] =	sst s8  }
0x11: {  	[smem:$0x3FB6] =	sst s9;
	s0 =	simm.s32 @!p0 $0x0  }
0x12: {  	s1 =	sld [smem:$0x3F9C];
	s0 =	simm.s32 @p0 $0x1  }
0x13: {  	[smem:$0x3FB7] =	sst s0;
	s0 =	simm.s32 @!p1 $0x0  }
0x14: {  	s2 =	sld [smem:$0x3F9B];
	s0 =	simm.s32 @p1 $0x1  }
0x15: {  	[smem:$0x3FB8] =	sst s0;
	s0 =	simm.s32 @!p2 $0x0  }
0x16: {  	s3 =	sld [smem:$0x3FDB];
	s0 =	simm.s32 @p2 $0x1  }
0x17: {  	s4 =	simm.s32 $0x1BF5;
	[smem:$0x3FBA] =	sst s0  }
0x18: {  	s0 =	sld [smem:$0x3F9D];
	_ =	swait.ge [sflag:s4], $0x0  }
0x19: {  	s7 =	sld [smem:$0x3F9E]  }
0x1a: {  	s8 =	sadd.s32 $0xFFFFE003, lr  }
0x1b: {  	s9 =	sadd.s32 $0xFFFFFEF7, lr;
	s5 =	simm.s32 $0xFFFFFFFF;
	p2 =	slt.u32 s8, $0xFFFFF086  }
0x1c: {  	p1 =	slt.u32 s9, $0xF7A;
	s5 =	simm.s32 @!p2 $0x0  }
0x1d: {  	s5 =	simm.s32 @p1 $0x1;
	p0 =	seq.s32 s7, s2  }
0x1e: {  	s7 =	smul.u32 @!p0 $0xF7A, s2;
	p2 =	seq.s32 @!p0 s5, $0x0  }
0x1f: {  	s9 =	smul.u32 $0xF7A, s1;
	s8 =	simm.s32 @!p0 $0x1BF5;
	p2 =	por !p2, p0  }
0x20: {  	[sflag:s8] =	ssyncset.s32 @!p0 $0xFFFFF086;
	s6 =	sadd.s32 @!p0 s3, s7;
	s7 =	simm.s32 @!p0 $0x108  }
0x21: {  	s3 =	sadd.s32 s3, s9;
	s6 =	sadd.s32 @!p0 $0x88, s6;
	s7 =	simm.s32 @p2 $0x1082  }
0x22: {  	[simem:s7], [sflag:s8] =	dma.local @!p0 [hbm:s6], $0xF7A  }
0x23: {  	s9 =	sor.u32 $0xD0000000, s2;
	s6 =	simm.s32 $0x108;
	_ =	swait.ge @!p0 [sflag:s8], $0x0  }
0x24: {  	s3 =	sadd.s32 $0x88, s3;
	s6 =	simm.s32 @!p1 $0x1082;
	[sflag:s4] =	ssyncset.s32 $0xFFFFF086  }
0x25: {  	[simem:s6], [sflag:s4] =	dma.local [hbm:s3], $0xF7A  }
0x26: {  	[smem:$0x3F9E] =	sst s1;
	(tag) =	ssettag s2;
	_ =	strace s9  }
0x27: {  	s1 =	sld [smem:$0x3FAE]  }
0x28: {  	s2 =	sld [smem:$0x3FAF]  }
0x29: {  	s4 =	sld [smem:$0x3FB1]  }
0x2a: {  	p0 =	seq.s32 s5, $0x0;
	s5 =	sld [smem:$0x3FB2]  }
0x2b: {  	s6 =	sld [smem:$0x3FB3]  }
0x2c: {  	s7 =	sld [smem:$0x3FB4]  }
0x2d: {  	s3 =	simm.s32 $0x108;
	s8 =	sld [smem:$0x3FB5]  }
0x2e: {  	s3 =	simm.s32 @!p0 $0x1082;
	s9 =	sld [smem:$0x3FB6]  }
0x2f: {  	lr =	sadd.s32 s0, s3;
	s0 =	sld [smem:$0x3FAD]  }
0x30: {  	s3 =	sld [smem:$0x3FB0]  }
0x31: {  	[smem:$0x3FB9] =	sst s10  }
0x32: {  	s10 =	sld [smem:$0x3FB7];
	_ =	sdelay $0x3  }
0x33: {  	p0 =	seq.s32 s10, $0x1;
	s10 =	sld [smem:$0x3FB9];
	_ =	sdelay $0x3  }
0x34: {  	[smem:$0x3FB9] =	sst s10  }
0x35: {  	s10 =	sld [smem:$0x3FB8];
	_ =	sdelay $0x3  }
0x36: {  	p1 =	seq.s32 s10, $0x1;
	s10 =	sld [smem:$0x3FB9];
	_ =	sdelay $0x3  }
0x37: {  	[smem:$0x3FB9] =	sst s10  }
0x38: {  	s10 =	sld [smem:$0x3FBA]  }
0x39: {  	_ = 	snop;
	(pc) =	sbr.ind lr, $3  }
0x3a: {  	_ = 	snop  }
0x3b: {  	_ = 	snop  }
0x3c: {  	p2 =	seq.s32 s10, $0x1;
	s10 =	sld [smem:$0x3FB9]  }
0x3d: {  	_ =	shalt  }
0x3e: {  	_ =	shalt  }
0x3f: {  	_ =	shalt  }
0x40: {  	_ =	shalt  }
0x41: {  	_ =	shalt  }
0x42: {  	_ =	shalt  }
0x43: {  	_ =	shalt  }
0x44: {  	_ =	shalt  }
0x45: {  	_ =	shalt  }
0x46: {  	_ =	shalt  }
0x47: {  	_ =	shalt  }
0x48: {  	_ =	shalt  }
0x49: {  	_ =	shalt  }
0x4a: {  	_ =	shalt  }
0x4b: {  	_ =	shalt  }
0x4c: {  	_ =	shalt  }
0x4d: {  	_ =	shalt  }
0x4e: {  	_ =	shalt  }
0x4f: {  	_ =	shalt  }
0x50: {  	_ =	shalt  }
0x51: {  	_ =	shalt  }
0x52: {  	_ =	shalt  }
0x53: {  	_ =	shalt  }
0x54: {  	_ =	shalt  }
0x55: {  	_ =	shalt  }
0x56: {  	_ =	shalt  }
0x57: {  	_ =	shalt  }
0x58: {  	_ =	shalt  }
0x59: {  	_ =	shalt  }
0x5a: {  	_ =	shalt  }
0x5b: {  	_ =	shalt  }
0x5c: {  	_ =	shalt  }
0x5d: {  	_ =	shalt  }
0x5e: {  	_ =	shalt  }
0x5f: {  	_ =	shalt  }
0x60: {  	_ =	shalt  }
0x61: {  	_ =	shalt  }
0x62: {  	_ =	shalt  }
0x63: {  	_ =	shalt  }
0x64: {  	_ =	shalt  }
0x65: {  	_ =	shalt  }
0x66: {  	_ =	shalt  }
0x67: {  	_ =	shalt  }
0x68: {  	_ =	shalt  }
0x69: {  	_ =	shalt  }
0x6a: {  	_ =	shalt  }
0x6b: {  	_ =	shalt  }
0x6c: {  	_ =	shalt  }
0x6d: {  	_ =	shalt  }
0x6e: {  	_ =	shalt  }
0x6f: {  	_ =	shalt  }
0x70: {  	_ =	shalt  }
0x71: {  	_ =	shalt  }
0x72: {  	_ =	shalt  }
0x73: {  	_ =	shalt  }
0x74: {  	_ =	shalt  }
0x75: {  	_ =	shalt  }
0x76: {  	_ =	shalt  }
0x77: {  	_ =	shalt  }
0x78: {  	_ =	shalt  }
0x79: {  	_ =	shalt  }
0x7a: {  	_ =	shalt  }
0x7b: {  	_ =	shalt  }
0x7c: {  	_ =	shalt  }
0x7d: {  	_ =	shalt  }
0x7e: {  	_ =	shalt  }
0x7f: {  	_ =	shalt  }
0x80: {  	_ =	shalt  }
0x81: {  	_ =	shalt  }
0x82: {  	_ =	shalt  }
0x83: {  	_ =	shalt  }
0x84: {  	_ =	shalt  }
0x85: {  	_ =	shalt  }
0x86: {  	_ =	shalt  }
0x87: {  	_ =	shalt  }
.Lfunc_end0:
.L_simem_size_0:
called_computation_lowered:
.L_overlay_start_0:
0x88: {  	s2 =	sld [smem:$0x3FD9]  }
0x89: {  	s3 =	sld [smem:$0x3FFE];
	_ =	sdelay $0x1  }
0x8a: {  	s1 =	srdreg.scid  }
0x8b: {  	s0 =	sand.u32 $0x1, s1  }
0x8c: {  	s18 =	sshll.u32 s0, $0xA;
	s2 =	sadd.s32 s3, s2  }
0x8d: {  	s2 =	sadd.s32 s2, s18  }
0x8e: {  	[smem:$0x3FC5] =	sst s2  }
0x8f: {  	_ = 	snop  }
0x90: {  	s2 =	sld [smem:$0x3FC9]  }
0x91: {  	s19 =	sld [smem:$0x3FC8]  }
0x92: {  	s4 =	sld [smem:$0x3FC7]  }
0x93: {  	s5 =	sld [smem:$0x3FD0];
	(tm) =	ssettm $0x1  }
0x94: {  	s6 =	sld [smem:$0x3FFB];
	_ =	sdelay $0x3  }
0x95: {  	_ =	strace s6  }
0x96: {  	s6 =	sld [smem:$0x3FFC];
	_ =	sdelay $0x3  }
0x97: {  	_ =	strace s6  }
0x98: {  	s6 =	sld [smem:$0x3FFD];
	_ =	sdelay $0x3  }
0x99: {  	_ =	strace s6  }
0x9a: {  	_ =	strace $0x8FFFFFFF  }
0x9b: {  	s20 =	sld [smem:$0x3FDB];
	_ =	sdelay $0x1  }
0x9c: {  	s7 =	simm.s32 $_scs_section_size  }
0x9d: {  	s8 =	simm.s32 $_size__tile_overlayer_lowered;
	s9 =	simm.s32 $_tile_overlayer_lowered  }
0x9e: {  	s23 =	simm.s32 $0x1BFF;
	s22 =	sshll.u32 s9, $0x1;
	s6 =	sadd.s32 s7, s20  }
0x9f: {  	s10 =	simm.s32 $0x0;
	s21 =	sshll.u32 s8, $0x1;
	s8 =	sadd.s32 s22, s6  }
0xa0: {  	[timem:s10], [sflag:s23] =	dma.local [hbm:s8], s21  }
0xa1: {  	_ =	swait.ge [sflag:s23], s21  }
0xa2: {  	s7 =	ssub.s32 $0x0, s21;
	[sflag:s23] =	ssyncset.done $0x0  }
0xa3: {  	[sflag:s23] =	ssyncadd.s32 s7;
	_ =	sdelay $0x1  }
0xa4: {  	s24 =	simm.s32 $0x1B8B  }
0xa5: {  	_ =	swait.ge [sflag:s24], $0x1  }
0xa6: {  	[sflag:s24] =	ssyncset.done $0x0  }
0xa7: {  	s25 =	simm.s32 $0x1B8E;
	[sflag:s24] =	ssyncadd.s32 $0xFFFFFFFF  }
0xa8: {  	s26 =	simm.s32 $execute0_lowered;
	[smem:$0x3FD2] =	sst s25  }
0xa9: {  	s7 =	sshll.u32 s26, $0x1;
	_ =	strace $0x80000046;
	[dreg:$0x1] =	wrdreg $0xFFFFFFFF  }
0xaa: {  	s28 =	simm.s32 $_size_execute0_lowered;
	s6 =	sadd.s32 s6, s7;
	[dreg:$0x0] =	wrdreg $0x0  }
0xab: {  	s7 =	sshll.u32 s28, $0x1;
	[dreg:$0x2] =	wrdreg s6  }
0xac: {  	[dreg:$0x3] =	wrdreg s7  }
0xad: {  	[dreg:$0x4] =	wrdreg $0xC0  }
0xae: {  	_ =	task [dreg:s10], $0x5FFFF  }
0xaf: {  	[dreg:$0x1] =	wrdreg $0xFFFFFFFF  }
0xb0: {  	[dreg:$0x0] =	wrdreg $0x60  }
0xb1: {  	[dreg:$0x2] =	wrdreg s2  }
0xb2: {  	[dreg:$0x3] =	wrdreg s19  }
0xb3: {  	[dreg:$0x4] =	wrdreg s4  }
0xb4: {  	[dreg:$0x5] =	wrdreg s5  }
0xb5: {  	[dreg:$0x6] =	wrdreg $0x9  }
0xb6: {  	_ =	task.clear_ibuf [dreg:s10], $0x7FFFF;
	_ =	strace $0x90000046  }
0xb7: {  	s29 =	simm.s32 $0x9;
	_ =	strace $0x8000004F  }
0xb8: {  	_ =	swait.ge [sflag:s29], $0x1  }
0xb9: {  	[sflag:s29] =	ssyncadd.s32 $0xFFFFFFFF  }
0xba: {  	_ =	strace $0x9000004F  }
0xbb: {  	_ =	sfence  }
0xbc: {  	s30 =	sld [smem:$0x0];
	_ =	sdelay $0x2  }
0xbd: {  	s31 =	sshll.u32 s1, $0xD;
	s1 =	sshrl.u32 s1, $0x2  }
0xbe: {  	s3 =	sand.u32 $0x4000, s31;
	s1 =	sadd.s32 s1, s30  }
0xbf: {  	s0 =	sor.u32 s3, s0;
	s1 =	sshll.u32 s1, $0x11  }
0xc0: {  	s0 =	sor.u32 s1, s0  }
0xc1: {  	s0 =	sadd.s32 $0x8F2B, s0  }
0xc2: {  	[sflag:s0] =	ssyncadd.remote.s32 $0x1  }
0xc3: {  	_ =	sfence.sel $0xFFFF  }
0xc4: {  	[dreg:$0x0] =	wrdreg $0xFFFFFFFF;
	(pc) =	sbr.abs _section_cstart, $3  }
0xc5: {  	[dreg:$0x1] =	wrdreg $0xFFFFFFFF  }
0xc6: {  	_ =	task.clear_ibuf [dreg:s10], $0x2FFFF;
	_ =	strace $0x9FFFFFFF  }
0xc7: {  	(tm) =	ssettm $0x7FFFFFFF  }
tec
execute0_lowered:
.L_overlay_start_1:
0x0: {  	(tag) =	ssettag $0x1  }
0x1: {  	s4 =	rddreg [dreg:$0x0]  }
0x2: {  	s2 =	rddreg [dreg:$0x1]  }
0x3: {  	s7 =	rddreg [dreg:$0x2]  }
0x4: {  	s1 =	srdreg.scid;
	s0 =	stileid.u32  }
0x5: {  	s13 =	rddreg [dreg:$0x3];
	s16 =	sand.u32 $0x1, s1;
	s3 =	sshll.u32 s0, $0x1  }
0x6: {  	s1 =	rddreg [dreg:$0x4];
	s5 =	sshll.u32 s0, $0x2;
	s14 =	sor.u32 s16, s3  }
0x7: {  	s3 =	simm.s32 $0x0;
	s5 =	sand.u32 $0x30, s5;
	s6 =	sand.u32 $0x7, s14  }
0x8: {  	[smem:$0x7FF] =	sst s3;
	s4 =	sadd.s32 s4, s5;
	s5 =	simm.s32 $0x80  }
0x9: {  	s8 =	sshll.u32 s6, $0x7;
	_ =	strace $0x80000047;
	s31 =	sshll.u32 s6, $0xC  }
0xa: {  	s6 =	simm.s32 $0x200;
	s4 =	sadd.s32 s8, s4;
	_ =	strace $0x80000048  }
0xb: {  	[tilespmem:s3], [sflag:$0x3] =	stream.strided.gather [hbm4b:s4+s5], $0x100, s6, s5, $0x200038;
	[tilespmem:$0x8100] =	vst v63  }
0xc: {  	s9 =	simm.s32 $0x4;
	s7 =	sadd.s32 s7, s31;
	s8 =	simm.s32 $0x100  }
0xd: {  	[tilespmem:s8], [sflag:$0x4] =	stream.linear.gather [hbm4b:s7+s3], $0x8000, $0x200038;
	[tilespmem:$0x8100] =	vst v63  }
0xe: {  	_ =	swait.ge [sflag:s9], $0x8000  }
0xf: {  	[sflag:s9] =	ssyncset.done $0x0  }
0x10: {  	s10 =	simm.s32 $0x3;
	[sflag:s9] =	ssyncadd.s32 $0xFFFF8000  }
0x11: {  	_ =	swait.ge [sflag:s10], $0x100  }
0x12: {  	[sflag:s10] =	ssyncset.done $0x0  }
0x13: {  	[sflag:s10] =	ssyncadd.s32 $0xFFFFFF00  }
0x14: {  	_ =	strace $0x90000048  }
0x15: {  	_ =	strace $0x80000049  }
0x16: {  	[tilespmem:s8], [sflag:$0x1] =	stream.indirect.gather.add.f32 [hbm:s2], $0x80, s3, s5, $0x2000b8;
	[tilespmem:$0x8100] =	vst v63  }
0x17: {  	s11 =	simm.s32 $0x4100  }
0x18: {  	[tilespmem:s11], [sflag:$0x1] =	stream.indirect.gather.add.f32 [hbm:s2], $0x80, s5, s5, $0x2000b8;
	[tilespmem:$0x8100] =	vst v63  }
0x19: {  	_ =	strace $0x90000049  }
0x1a: {  	s12 =	simm.s32 $0x1;
	_ =	strace $0x8000004A  }
0x1b: {  	_ =	swait.ge [sflag:s12], $0x4000  }
0x1c: {  	[sflag:s12] =	ssyncset.done $0x0  }
0x1d: {  	[sflag:s12] =	ssyncadd.s32 $0xFFFFC000  }
0x1e: {  	s14 =	sshll.u32 s14, $0xC;
	_ =	strace $0x9000004A  }
0x1f: {  	s13 =	sadd.s32 s13, s14;
	_ =	strace $0x8000004B  }
0x20: {  	[hbm4b:s13+s3] =	stream.linear.scatter [tilespmem:s8], [sflag:$0x2], $0x4000, $0x200038;
	[tilespmem:$0x8100] =	vst v63  }
0x21: {  	_ =	strace $0x9000004B  }
0x22: {  	_ =	strace $0x8000004C  }
0x23: {  	_ =	swait.ge [sflag:s12], $0x4000  }
0x24: {  	[sflag:s12] =	ssyncset.done $0x0  }
0x25: {  	[sflag:s12] =	ssyncadd.s32 $0xFFFFC000  }
0x26: {  	s16 =	ssub.s32 $0x2, s16;
	_ =	strace $0x9000004C  }
0x27: {  	s17 =	sshrl.u32 s16, $0x1;
	s14 =	sadd.s32 $0x800, s13;
	_ =	strace $0x8000004D  }
0x28: {  	[hbm4b:s14+s3] =	stream.linear.scatter [tilespmem:s11], [sflag:$0x2], $0x4000, $0x200038;
	[tilespmem:$0x8100] =	vst v63  }
0x29: {  	s16 =	ssub.s32 s16, s17;
	_ =	strace $0x9000004D  }
0x2a: {  	s15 =	simm.s32 $0x2;
	s16 =	smax.u32 s16, $0x1;
	_ =	strace $0x8000004E  }
0x2b: {  	p0 =	sne.s32 s16, $0x1;
	_ =	swait.ge [sflag:s15], $0x4000  }
.Ltmp0:
0x2c: {  	[sflag:s15] =	ssyncset.done $0x0;
	(pc) =	sbr.rel @!p0 .LBB2_2-.Ltmp0, $4  }
0x2d: {  	[sflag:s15] =	ssyncadd.s32 $0xFFFFC000  }
0x2e: {  	_ =	swait.ge [sflag:s15], $0x4000  }
0x2f: {  	[sflag:s15] =	ssyncset.done $0x0  }
0x30: {  	s16 =	sadd.s32 $0xFFFFFFFF, s16;
	[sflag:s15] =	ssyncadd.s32 $0xFFFFC000  }
.LBB2_1:
0x31: {  	p0 =	sne.s32 s16, $0x1;
	s16 =	sadd.s32 $0xFFFFFFFF, s16;
	_ =	strace $0x9000004E  }
0x32: {  	_ =	strace $0x80000048  }
0x33: {  	[tilespmem:s3], [sflag:$0x3] =	stream.strided.gather [hbm4b:s4+s5], $0x100, s6, s5, $0x200038;
	[tilespmem:$0x8100] =	vst v63  }
0x34: {  	_ = 	snop  }
0x35: {  	[tilespmem:s8], [sflag:$0x4] =	stream.linear.gather [hbm4b:s7+s3], $0x8000, $0x200038;
	[tilespmem:$0x8100] =	vst v63  }
0x36: {  	_ =	swait.ge [sflag:s9], $0x8000  }
0x37: {  	[sflag:s9] =	ssyncset.done $0x0  }
0x38: {  	[sflag:s9] =	ssyncadd.s32 $0xFFFF8000  }
0x39: {  	_ =	swait.ge [sflag:s10], $0x100  }
0x3a: {  	[sflag:s10] =	ssyncset.done $0x0  }
0x3b: {  	[sflag:s10] =	ssyncadd.s32 $0xFFFFFF00  }
0x3c: {  	_ =	strace $0x90000048  }
0x3d: {  	_ =	strace $0x80000049  }
0x3e: {  	[tilespmem:s8], [sflag:$0x1] =	stream.indirect.gather.add.f32 [hbm:s2], $0x80, s3, s5, $0x2000b8;
	[tilespmem:$0x8100] =	vst v63  }
0x3f: {  	_ = 	snop  }
0x40: {  	[tilespmem:s11], [sflag:$0x1] =	stream.indirect.gather.add.f32 [hbm:s2], $0x80, s5, s5, $0x2000b8;
	[tilespmem:$0x8100] =	vst v63  }
0x41: {  	_ =	strace $0x90000049  }
0x42: {  	_ =	strace $0x8000004A  }
0x43: {  	_ =	swait.ge [sflag:s12], $0x4000  }
0x44: {  	[sflag:s12] =	ssyncset.done $0x0  }
0x45: {  	[sflag:s12] =	ssyncadd.s32 $0xFFFFC000  }
0x46: {  	_ =	strace $0x9000004A  }
0x47: {  	_ =	strace $0x8000004B  }
0x48: {  	[hbm4b:s13+s3] =	stream.linear.scatter [tilespmem:s8], [sflag:$0x2], $0x4000, $0x200038;
	[tilespmem:$0x8100] =	vst v63  }
0x49: {  	_ =	strace $0x9000004B  }
0x4a: {  	_ =	strace $0x8000004C  }
0x4b: {  	_ =	swait.ge [sflag:s12], $0x4000  }
0x4c: {  	[sflag:s12] =	ssyncset.done $0x0  }
0x4d: {  	[sflag:s12] =	ssyncadd.s32 $0xFFFFC000  }
0x4e: {  	_ =	strace $0x9000004C  }
0x4f: {  	_ =	strace $0x8000004D  }
0x50: {  	[hbm4b:s14+s3] =	stream.linear.scatter [tilespmem:s11], [sflag:$0x2], $0x4000, $0x200038;
	[tilespmem:$0x8100] =	vst v63  }
0x51: {  	_ =	strace $0x9000004D  }
0x52: {  	_ =	strace $0x8000004E  }
0x53: {  	_ =	swait.ge [sflag:s15], $0x4000  }
.Ltmp1:
0x54: {  	[sflag:s15] =	ssyncset.done $0x0;
	(pc) =	sbr.rel @p0 .LBB2_1-.Ltmp1, $4  }
0x55: {  	[sflag:s15] =	ssyncadd.s32 $0xFFFFC000  }
0x56: {  	_ =	swait.ge [sflag:s15], $0x4000  }
0x57: {  	[sflag:s15] =	ssyncset.done $0x0  }
0x58: {  	[sflag:s15] =	ssyncadd.s32 $0xFFFFC000  }
.LBB2_2:
0x59: {  	_ =	strace $0x9000004E  }
0x5a: {  	_ =	sfence.sel $0x180000  }
0x5b: {  	[bflag:$0x0] =	sbarrier.arrive $0xFFFF  }
0x5c: {  	p0 =	sne.s32 s0, $0x0;
	_ =	strace $0x90000047  }
0x5d: {  	s0 =	sadd.s32 @!p0 $0x100000, s1;
	[bflag:$0x2] =	sbarrier.arrive $0xFFFF  }
0x5e: {  	[sflag:s0] =	ssyncadd.tile.s32 @!p0 $0x1;
	_ =	shalt  }
.Lfunc_end2:
_tile_overlayer_lowered:
.L_overlay_start_2:
0x5f: {  	(tag) =	ssettag $0x2  }
0x60: {  	s0 =	rddreg [dreg:$0x0];
	s2 =	stileid.u32  }
0x61: {  	s1 =	rddreg [dreg:$0x1];
	p0 =	sne.s32 s2, $0x0  }
0x62: {  	s3 =	rddreg [dreg:$0x2];
	[bflag:$0x3] =	sbarrier.arrive $0xFFFF;
	s2 =	simm.s32 @!p0 $0x1C04  }
0x63: {  	[timem:s3], [sflag:s2] =	dma.local @!p0 [hbm:s0], s1  }
0x64: {  	s0 =	simm.s32 @!p0 $0x4  }
0x65: {  	_ =	swait.ge @!p0 [sflag:s0], s1  }
0x66: {  	s1 =	ssub.s32 @!p0 $0x0, s1;
	[sflag:s0] =	ssyncset.done @!p0 $0x0  }
0x67: {  	[sflag:s0] =	ssyncadd.s32 @!p0 s1  }
0x68: {  	[bflag:$0x3] =	sbarrier.arrive $0xFFFF  }
0x69: {  	_ =	shalt  }

</sc_bundles>
